<compile_context>
chip_gen: v7x
topology: tpu7x:2x2x1
jax: 0.10.2.dev20260603
libtpu: 0.0.44.dev20260713+nightly
codegen_flags: <defaults>
</compile_context>

<pallas_src>
import functools

import jax
import jax.numpy as jnp
from jax import lax
from jax.experimental import pallas as pl
from jax.experimental.pallas import tpu as pltpu
from jax.experimental.pallas import tpu_sc as plsc


def _gather_positions_sc(emb, seq_len):
    vocab, hidden = emb.shape
    lanes = 16
    n_pad = (seq_len + lanes - 1) // lanes * lanes
    mesh = plsc.VectorSubcoreMesh(
        core_axis_name="c", subcore_axis_name="s", num_cores=1
    )

    @functools.partial(
        pl.kernel,
        mesh=mesh,
        out_type=jax.ShapeDtypeStruct((seq_len, hidden), jnp.float32),
        scratch_types=[
            pltpu.VMEM((n_pad,), jnp.int32),
            pltpu.VMEM((n_pad, hidden), jnp.float32),
            pltpu.SemaphoreType.DMA,
        ],
    )
    def gather(emb_hbm, out_hbm, idx_v, rows_v, sem):
        wid = lax.axis_index("s") + lax.axis_index("c")

        @pl.when(wid == 0)
        def _():
            for c in range(n_pad // lanes):
                pos = lax.iota(jnp.int32, lanes) + c * lanes
                idx_v[pl.ds(c * lanes, lanes)] = jnp.minimum(pos, vocab - 1)
            pltpu.async_copy(emb_hbm.at[idx_v], rows_v, sem).wait()
            pltpu.sync_copy(rows_v.at[pl.ds(0, seq_len)], out_hbm)

    return gather(emb)


def kernel(item_seqs, emb):
    batch, seq_len = item_seqs.shape
    hidden = emb.shape[1]
    bb = 64
    tail_blocks = 1
    main = batch - tail_blocks * bb
    out_shape = jax.ShapeDtypeStruct((batch, seq_len, hidden), jnp.float32)

    pos_emb = _gather_positions_sc(emb, seq_len)

    def body(src_ref, out_ref):
        out_ref[...] = jnp.broadcast_to(
            src_ref[...][None], (bb, seq_len, hidden)
        )

    part_a = pl.pallas_call(
        body,
        grid=(main // bb,),
        in_specs=[pl.BlockSpec((seq_len, hidden), lambda i: (0, 0))],
        out_specs=pl.BlockSpec((bb, seq_len, hidden), lambda i: (i, 0, 0)),
        out_shape=out_shape,
    )(emb[:seq_len])

    def body_tail(src_ref, alias_ref, out_ref):
        del alias_ref
        out_ref[...] = jnp.broadcast_to(
            src_ref[...][None], (bb, seq_len, hidden)
        )

    out = pl.pallas_call(
        body_tail,
        grid=(tail_blocks,),
        in_specs=[
            pl.BlockSpec((seq_len, hidden), lambda i: (0, 0)),
            pl.BlockSpec(memory_space=pl.ANY),
        ],
        out_specs=pl.BlockSpec(
            (bb, seq_len, hidden), lambda i: (main // bb + i, 0, 0)
        ),
        out_shape=out_shape,
        input_output_aliases={1: 0},
    )(pos_emb, part_a)
    return out

# --- scband reference (transcript-rebuilt; emitter-appended) ---
"""Pipeline reference for scband-positional-embedding-34780645163117 (READ-ONLY COPY).

The authoritative reference and input builder live on the scoring server;
editing this copy changes nothing except your own understanding.
"""

import jax, jax.numpy as jnp
import numpy as np

MAX_LEN = 200
HIDDEN = 128
BATCH = 4096
SEQ_LEN = 200

def setup_inputs(seed: int = 0) -> dict:
    key = jax.random.key(seed)
    k1, k2 = jax.random.split(key)
    item_seqs = jax.random.randint(k1, (BATCH, SEQ_LEN), 0, 100000, dtype=jnp.int64 if jax.config.jax_enable_x64 else jnp.int32)
    emb = jax.random.normal(k2, (MAX_LEN, HIDDEN), dtype=jnp.float32) * 0.02
    return {"item_seqs": item_seqs, "emb": emb}

def reference(item_seqs, emb):
    batch_size, seq_len = item_seqs.shape
    positions = jnp.arange(seq_len, dtype=jnp.int32)
    pos_emb = jnp.take(emb, positions, axis=0)  # [seq_len, hidden]
    pos_emb = jnp.broadcast_to(pos_emb[None, :, :], (batch_size, seq_len, pos_emb.shape[-1]))
    return pos_emb

if __name__ == "__main__":
    import jax
    _d = setup_inputs()
    print(jax.jit(kernel)(*tuple(_d.values())))

</pallas_src>

<mosaic_0001>
#map = affine_map<(d0, d1) -> (0, 0)>
module attributes {stable_mosaic.version = 14 : i64} {
  func.func @gather(%arg0: i32, %arg1: i32, %arg2: memref<200x128xf32, #tpu.memory_space<hbm>>, %arg3: memref<200x128xf32, #tpu.memory_space<hbm>>, %arg4: memref<208xi32, #tpu.memory_space<vmem>>, %arg5: memref<208x128xf32, #tpu.memory_space<vmem>>, %arg6: memref<!tpu.dma_semaphore, #tpu.memory_space<semaphore_mem>>) attributes {dimension_semantics = [#tpu.dimension_semantics<core_parallel>, #tpu.dimension_semantics<subcore_parallel>], iteration_bounds = array<i64: 1, 16>, scalar_prefetch = 0 : i64, scratch_operands = 3 : i64, tpu.core_type = #tpu.core_type<sc_vector_subcore>, window_params = [{transform_indices = #map}, {transform_indices = #map}]} {
    %add3A = arith.addi %arg1, %arg0 : i32
    %eq3A = arith.constant 0 : i32
    %eq3A_0 = arith.cmpi eq, %add3A, %eq3A : i32
    %convert_element_type3A = arith.extui %eq3A_0 : i1 to i32
    %cond3A = arith.constant 0 : i32
    %cond3A_1 = arith.cmpi ne, %convert_element_type3A, %cond3A : i32
    scf.if %cond3A_1 {
      %iota3A = tpu.iota {dimensions = array<i32: 0>} : vector<16xi32>
      %add3A_2 = arith.constant 0 : i32
      %add3A_3 = vector.broadcast %add3A_2 : i32 to vector<16xi32>
      %add3A_4 = arith.addi %iota3A, %add3A_3 : vector<16xi32>
      %min3A = arith.constant 199 : i32
      %min3A_5 = vector.broadcast %min3A : i32 to vector<16xi32>
      %min3A_6 = arith.minsi %add3A_4, %min3A_5 : vector<16xi32>
      %swap3A = arith.constant 0 : index
      %swap3A_7 = tpu.vector_load %arg4[%swap3A] {strides = array<i32>} : memref<208xi32, #tpu.memory_space<vmem>>, vector<16xi32>,
      %swap3A_8 = vector.shape_cast %swap3A_7 : vector<16xi32> to vector<16xi32>
      %swap3A_9 = vector.shape_cast %min3A_6 : vector<16xi32> to vector<16xi32>
      tpu.vector_store %arg4[%swap3A], %swap3A_9 {strides = array<i32>} : memref<208xi32, #tpu.memory_space<vmem>>, vector<16xi32>,
      %iota3A_10 = tpu.iota {dimensions = array<i32: 0>} : vector<16xi32>
      %add3A_11 = arith.constant 16 : i32
      %add3A_12 = vector.broadcast %add3A_11 : i32 to vector<16xi32>
      %add3A_13 = arith.addi %iota3A_10, %add3A_12 : vector<16xi32>
      %min3A_14 = arith.constant 199 : i32
      %min3A_15 = vector.broadcast %min3A_14 : i32 to vector<16xi32>
      %min3A_16 = arith.minsi %add3A_13, %min3A_15 : vector<16xi32>
      %swap3A_17 = arith.constant 16 : index
      %swap3A_18 = tpu.vector_load %arg4[%swap3A_17] {strides = array<i32>} : memref<208xi32, #tpu.memory_space<vmem>>, vector<16xi32>,
      %swap3A_19 = vector.shape_cast %swap3A_18 : vector<16xi32> to vector<16xi32>
      %swap3A_20 = vector.shape_cast %min3A_16 : vector<16xi32> to vector<16xi32>
      tpu.vector_store %arg4[%swap3A_17], %swap3A_20 {strides = array<i32>} : memref<208xi32, #tpu.memory_space<vmem>>, vector<16xi32>,
      %iota3A_21 = tpu.iota {dimensions = array<i32: 0>} : vector<16xi32>
      %add3A_22 = arith.constant 32 : i32
      %add3A_23 = vector.broadcast %add3A_22 : i32 to vector<16xi32>
      %add3A_24 = arith.addi %iota3A_21, %add3A_23 : vector<16xi32>
      %min3A_25 = arith.constant 199 : i32
      %min3A_26 = vector.broadcast %min3A_25 : i32 to vector<16xi32>
      %min3A_27 = arith.minsi %add3A_24, %min3A_26 : vector<16xi32>
      %swap3A_28 = arith.constant 32 : index
      %swap3A_29 = tpu.vector_load %arg4[%swap3A_28] {strides = array<i32>} : memref<208xi32, #tpu.memory_space<vmem>>, vector<16xi32>,
      %swap3A_30 = vector.shape_cast %swap3A_29 : vector<16xi32> to vector<16xi32>
      %swap3A_31 = vector.shape_cast %min3A_27 : vector<16xi32> to vector<16xi32>
      tpu.vector_store %arg4[%swap3A_28], %swap3A_31 {strides = array<i32>} : memref<208xi32, #tpu.memory_space<vmem>>, vector<16xi32>,
      %iota3A_32 = tpu.iota {dimensions = array<i32: 0>} : vector<16xi32>
      %add3A_33 = arith.constant 48 : i32
      %add3A_34 = vector.broadcast %add3A_33 : i32 to vector<16xi32>
      %add3A_35 = arith.addi %iota3A_32, %add3A_34 : vector<16xi32>
      %min3A_36 = arith.constant 199 : i32
      %min3A_37 = vector.broadcast %min3A_36 : i32 to vector<16xi32>
      %min3A_38 = arith.minsi %add3A_35, %min3A_37 : vector<16xi32>
      %swap3A_39 = arith.constant 48 : index
      %swap3A_40 = tpu.vector_load %arg4[%swap3A_39] {strides = array<i32>} : memref<208xi32, #tpu.memory_space<vmem>>, vector<16xi32>,
      %swap3A_41 = vector.shape_cast %swap3A_40 : vector<16xi32> to vector<16xi32>
      %swap3A_42 = vector.shape_cast %min3A_38 : vector<16xi32> to vector<16xi32>
      tpu.vector_store %arg4[%swap3A_39], %swap3A_42 {strides = array<i32>} : memref<208xi32, #tpu.memory_space<vmem>>, vector<16xi32>,
      %iota3A_43 = tpu.iota {dimensions = array<i32: 0>} : vector<16xi32>
      %add3A_44 = arith.constant 64 : i32
      %add3A_45 = vector.broadcast %add3A_44 : i32 to vector<16xi32>
      %add3A_46 = arith.addi %iota3A_43, %add3A_45 : vector<16xi32>
      %min3A_47 = arith.constant 199 : i32
      %min3A_48 = vector.broadcast %min3A_47 : i32 to vector<16xi32>
      %min3A_49 = arith.minsi %add3A_46, %min3A_48 : vector<16xi32>
      %swap3A_50 = arith.constant 64 : index
      %swap3A_51 = tpu.vector_load %arg4[%swap3A_50] {strides = array<i32>} : memref<208xi32, #tpu.memory_space<vmem>>, vector<16xi32>,
      %swap3A_52 = vector.shape_cast %swap3A_51 : vector<16xi32> to vector<16xi32>
      %swap3A_53 = vector.shape_cast %min3A_49 : vector<16xi32> to vector<16xi32>
      tpu.vector_store %arg4[%swap3A_50], %swap3A_53 {strides = array<i32>} : memref<208xi32, #tpu.memory_space<vmem>>, vector<16xi32>,
      %iota3A_54 = tpu.iota {dimensions = array<i32: 0>} : vector<16xi32>
      %add3A_55 = arith.constant 80 : i32
      %add3A_56 = vector.broadcast %add3A_55 : i32 to vector<16xi32>
      %add3A_57 = arith.addi %iota3A_54, %add3A_56 : vector<16xi32>
      %min3A_58 = arith.constant 199 : i32
      %min3A_59 = vector.broadcast %min3A_58 : i32 to vector<16xi32>
      %min3A_60 = arith.minsi %add3A_57, %min3A_59 : vector<16xi32>
      %swap3A_61 = arith.constant 80 : index
      %swap3A_62 = tpu.vector_load %arg4[%swap3A_61] {strides = array<i32>} : memref<208xi32, #tpu.memory_space<vmem>>, vector<16xi32>,
      %swap3A_63 = vector.shape_cast %swap3A_62 : vector<16xi32> to vector<16xi32>
      %swap3A_64 = vector.shape_cast %min3A_60 : vector<16xi32> to vector<16xi32>
      tpu.vector_store %arg4[%swap3A_61], %swap3A_64 {strides = array<i32>} : memref<208xi32, #tpu.memory_space<vmem>>, vector<16xi32>,
      %iota3A_65 = tpu.iota {dimensions = array<i32: 0>} : vector<16xi32>
      %add3A_66 = arith.constant 96 : i32
      %add3A_67 = vector.broadcast %add3A_66 : i32 to vector<16xi32>
      %add3A_68 = arith.addi %iota3A_65, %add3A_67 : vector<16xi32>
      %min3A_69 = arith.constant 199 : i32
      %min3A_70 = vector.broadcast %min3A_69 : i32 to vector<16xi32>
      %min3A_71 = arith.minsi %add3A_68, %min3A_70 : vector<16xi32>
      %swap3A_72 = arith.constant 96 : index
      %swap3A_73 = tpu.vector_load %arg4[%swap3A_72] {strides = array<i32>} : memref<208xi32, #tpu.memory_space<vmem>>, vector<16xi32>,
      %swap3A_74 = vector.shape_cast %swap3A_73 : vector<16xi32> to vector<16xi32>
      %swap3A_75 = vector.shape_cast %min3A_71 : vector<16xi32> to vector<16xi32>
      tpu.vector_store %arg4[%swap3A_72], %swap3A_75 {strides = array<i32>} : memref<208xi32, #tpu.memory_space<vmem>>, vector<16xi32>,
      %iota3A_76 = tpu.iota {dimensions = array<i32: 0>} : vector<16xi32>
      %add3A_77 = arith.constant 112 : i32
      %add3A_78 = vector.broadcast %add3A_77 : i32 to vector<16xi32>
      %add3A_79 = arith.addi %iota3A_76, %add3A_78 : vector<16xi32>
      %min3A_80 = arith.constant 199 : i32
      %min3A_81 = vector.broadcast %min3A_80 : i32 to vector<16xi32>
      %min3A_82 = arith.minsi %add3A_79, %min3A_81 : vector<16xi32>
      %swap3A_83 = arith.constant 112 : index
      %swap3A_84 = tpu.vector_load %arg4[%swap3A_83] {strides = array<i32>} : memref<208xi32, #tpu.memory_space<vmem>>, vector<16xi32>,
      %swap3A_85 = vector.shape_cast %swap3A_84 : vector<16xi32> to vector<16xi32>
      %swap3A_86 = vector.shape_cast %min3A_82 : vector<16xi32> to vector<16xi32>
      tpu.vector_store %arg4[%swap3A_83], %swap3A_86 {strides = array<i32>} : memref<208xi32, #tpu.memory_space<vmem>>, vector<16xi32>,
      %iota3A_87 = tpu.iota {dimensions = array<i32: 0>} : vector<16xi32>
      %add3A_88 = arith.constant 128 : i32
      %add3A_89 = vector.broadcast %add3A_88 : i32 to vector<16xi32>
      %add3A_90 = arith.addi %iota3A_87, %add3A_89 : vector<16xi32>
      %min3A_91 = arith.constant 199 : i32
      %min3A_92 = vector.broadcast %min3A_91 : i32 to vector<16xi32>
      %min3A_93 = arith.minsi %add3A_90, %min3A_92 : vector<16xi32>
      %swap3A_94 = arith.constant 128 : index
      %swap3A_95 = tpu.vector_load %arg4[%swap3A_94] {strides = array<i32>} : memref<208xi32, #tpu.memory_space<vmem>>, vector<16xi32>,
      %swap3A_96 = vector.shape_cast %swap3A_95 : vector<16xi32> to vector<16xi32>
      %swap3A_97 = vector.shape_cast %min3A_93 : vector<16xi32> to vector<16xi32>
      tpu.vector_store %arg4[%swap3A_94], %swap3A_97 {strides = array<i32>} : memref<208xi32, #tpu.memory_space<vmem>>, vector<16xi32>,
      %iota3A_98 = tpu.iota {dimensions = array<i32: 0>} : vector<16xi32>
      %add3A_99 = arith.constant 144 : i32
      %add3A_100 = vector.broadcast %add3A_99 : i32 to vector<16xi32>
      %add3A_101 = arith.addi %iota3A_98, %add3A_100 : vector<16xi32>
      %min3A_102 = arith.constant 199 : i32
      %min3A_103 = vector.broadcast %min3A_102 : i32 to vector<16xi32>
      %min3A_104 = arith.minsi %add3A_101, %min3A_103 : vector<16xi32>
      %swap3A_105 = arith.constant 144 : index
      %swap3A_106 = tpu.vector_load %arg4[%swap3A_105] {strides = array<i32>} : memref<208xi32, #tpu.memory_space<vmem>>, vector<16xi32>,
      %swap3A_107 = vector.shape_cast %swap3A_106 : vector<16xi32> to vector<16xi32>
      %swap3A_108 = vector.shape_cast %min3A_104 : vector<16xi32> to vector<16xi32>
      tpu.vector_store %arg4[%swap3A_105], %swap3A_108 {strides = array<i32>} : memref<208xi32, #tpu.memory_space<vmem>>, vector<16xi32>,
      %iota3A_109 = tpu.iota {dimensions = array<i32: 0>} : vector<16xi32>
      %add3A_110 = arith.constant 160 : i32
      %add3A_111 = vector.broadcast %add3A_110 : i32 to vector<16xi32>
      %add3A_112 = arith.addi %iota3A_109, %add3A_111 : vector<16xi32>
      %min3A_113 = arith.constant 199 : i32
      %min3A_114 = vector.broadcast %min3A_113 : i32 to vector<16xi32>
      %min3A_115 = arith.minsi %add3A_112, %min3A_114 : vector<16xi32>
      %swap3A_116 = arith.constant 160 : index
      %swap3A_117 = tpu.vector_load %arg4[%swap3A_116] {strides = array<i32>} : memref<208xi32, #tpu.memory_space<vmem>>, vector<16xi32>,
      %swap3A_118 = vector.shape_cast %swap3A_117 : vector<16xi32> to vector<16xi32>
      %swap3A_119 = vector.shape_cast %min3A_115 : vector<16xi32> to vector<16xi32>
      tpu.vector_store %arg4[%swap3A_116], %swap3A_119 {strides = array<i32>} : memref<208xi32, #tpu.memory_space<vmem>>, vector<16xi32>,
      %iota3A_120 = tpu.iota {dimensions = array<i32: 0>} : vector<16xi32>
      %add3A_121 = arith.constant 176 : i32
      %add3A_122 = vector.broadcast %add3A_121 : i32 to vector<16xi32>
      %add3A_123 = arith.addi %iota3A_120, %add3A_122 : vector<16xi32>
      %min3A_124 = arith.constant 199 : i32
      %min3A_125 = vector.broadcast %min3A_124 : i32 to vector<16xi32>
      %min3A_126 = arith.minsi %add3A_123, %min3A_125 : vector<16xi32>
      %swap3A_127 = arith.constant 176 : index
      %swap3A_128 = tpu.vector_load %arg4[%swap3A_127] {strides = array<i32>} : memref<208xi32, #tpu.memory_space<vmem>>, vector<16xi32>,
      %swap3A_129 = vector.shape_cast %swap3A_128 : vector<16xi32> to vector<16xi32>
      %swap3A_130 = vector.shape_cast %min3A_126 : vector<16xi32> to vector<16xi32>
      tpu.vector_store %arg4[%swap3A_127], %swap3A_130 {strides = array<i32>} : memref<208xi32, #tpu.memory_space<vmem>>, vector<16xi32>,
      %iota3A_131 = tpu.iota {dimensions = array<i32: 0>} : vector<16xi32>
      %add3A_132 = arith.constant 192 : i32
      %add3A_133 = vector.broadcast %add3A_132 : i32 to vector<16xi32>
      %add3A_134 = arith.addi %iota3A_131, %add3A_133 : vector<16xi32>
      %min3A_135 = arith.constant 199 : i32
      %min3A_136 = vector.broadcast %min3A_135 : i32 to vector<16xi32>
      %min3A_137 = arith.minsi %add3A_134, %min3A_136 : vector<16xi32>
      %swap3A_138 = arith.constant 192 : index
      %swap3A_139 = tpu.vector_load %arg4[%swap3A_138] {strides = array<i32>} : memref<208xi32, #tpu.memory_space<vmem>>, vector<16xi32>,
      %swap3A_140 = vector.shape_cast %swap3A_139 : vector<16xi32> to vector<16xi32>
      %swap3A_141 = vector.shape_cast %min3A_137 : vector<16xi32> to vector<16xi32>
      tpu.vector_store %arg4[%swap3A_138], %swap3A_141 {strides = array<i32>} : memref<208xi32, #tpu.memory_space<vmem>>, vector<16xi32>,
      %dma_start3A = arith.constant 0 : i32
      %dma_start3A_142 = arith.constant 0 : i32
      %dma_start3A_143 = tpu.memref_slice %arg2[%dma_start3A, %dma_start3A_142] : memref<200x128xf32, #tpu.memory_space<hbm>> -> memref<200x128xf32, #tpu.memory_space<hbm>>
      tpu.enqueue_indirect_dma source(%dma_start3A_143 : memref<200x128xf32, #tpu.memory_space<hbm>>) target(%arg5 : memref<208x128xf32, #tpu.memory_space<vmem>>) offsets(%arg4 : memref<208xi32, #tpu.memory_space<vmem>>) semaphore(%arg6 : memref<!tpu.dma_semaphore, #tpu.memory_space<semaphore_mem>>)
      %dma_wait3A = arith.constant 0 : i32
      %dma_wait3A_144 = arith.constant 0 : i32
      %dma_wait3A_145 = tpu.memref_slice %arg2[%dma_wait3A, %dma_wait3A_144] : memref<200x128xf32, #tpu.memory_space<hbm>> -> memref<200x128xf32, #tpu.memory_space<hbm>>
      tpu.wait_indirect_dma semaphore(%arg6 : memref<!tpu.dma_semaphore, #tpu.memory_space<semaphore_mem>>) src(%dma_wait3A_145 : memref<200x128xf32, #tpu.memory_space<hbm>>) dst(%arg5 : memref<208x128xf32, #tpu.memory_space<vmem>>)
      "tpu.region"() ({
        %run_scoped3A = tpu.sem_alloc : memref<!tpu.dma_semaphore, #tpu.memory_space<semaphore_mem>>
        %dma_start3A_146 = arith.constant 0 : i32
        %dma_start3A_147 = arith.constant 0 : i32
        %dma_start3A_148 = tpu.memref_slice %arg5[%dma_start3A_146, %dma_start3A_147] : memref<208x128xf32, #tpu.memory_space<vmem>> -> memref<200x128xf32, #tpu.memory_space<vmem>>
        %dma_start3A_149 = arith.constant 0 : i32
        %dma_start3A_150 = arith.constant 0 : i32
        %dma_start3A_151 = tpu.memref_slice %arg5[%dma_start3A_149, %dma_start3A_150] : memref<208x128xf32, #tpu.memory_space<vmem>> -> memref<200x128xf32, #tpu.memory_space<vmem>>
        tpu.enqueue_dma source(%dma_start3A_151 : memref<200x128xf32, #tpu.memory_space<vmem>>) target(%arg3 : memref<200x128xf32, #tpu.memory_space<hbm>>) target_semaphore(%run_scoped3A : memref<!tpu.dma_semaphore, #tpu.memory_space<semaphore_mem>>)
        %dma_wait3A_152 = arith.constant 0 : i32
        %dma_wait3A_153 = arith.constant 0 : i32
        %dma_wait3A_154 = tpu.memref_slice %arg5[%dma_wait3A_152, %dma_wait3A_153] : memref<208x128xf32, #tpu.memory_space<vmem>> -> memref<200x128xf32, #tpu.memory_space<vmem>>
        %dma_wait3A_155 = arith.constant 0 : i32
        %dma_wait3A_156 = arith.constant 0 : i32
        %dma_wait3A_157 = tpu.memref_slice %arg5[%dma_wait3A_155, %dma_wait3A_156] : memref<208x128xf32, #tpu.memory_space<vmem>> -> memref<200x128xf32, #tpu.memory_space<vmem>>
        tpu.wait_dma2 semaphore(%run_scoped3A : memref<!tpu.dma_semaphore, #tpu.memory_space<semaphore_mem>>) src(%dma_wait3A_157 : memref<200x128xf32, #tpu.memory_space<vmem>>) dst(%arg3 : memref<200x128xf32, #tpu.memory_space<hbm>>)
        tpu.yield
      }) : () -> ()
    } else {
    }
    return
  }
}

module attributes {stable_mosaic.version = 14 : i64} {
  func.func @body(%arg0: i32, %arg1: memref<200x128xf32, #tpu.memory_space<vmem>>, %arg2: memref<64x200x128xf32, #tpu.memory_space<vmem>>) attributes {dimension_semantics = [#tpu.dimension_semantics<arbitrary>], iteration_bounds = array<i64: 63>, scalar_prefetch = 0 : i64, scratch_operands = 0 : i64, tpu.core_type = #tpu.core_type<tc>, window_params = [{pipeline_mode = #tpu.pipeline_mode<synchronous>, transform_indices = @transform_0, window_bounds = array<i64: 200, 128>}, {transform_indices = @transform_1, window_bounds = array<i64: 64, 200, 128>}]} {
    %get3A = arith.constant 0 : index
    %get3A_0 = arith.constant 0 : index
    %get3A_1 = vector.load %arg1[%get3A, %get3A_0] : memref<200x128xf32, #tpu.memory_space<vmem>>, vector<200x128xf32>
    %broadcast_in_dim3A = vector.shape_cast %get3A_1 : vector<200x128xf32> to vector<1x200x128xf32>
    %broadcast_in_dim3A_2 = vector.shape_cast %broadcast_in_dim3A : vector<1x200x128xf32> to vector<1x200x128xf32>
    %broadcast_in_dim3A_3 = vector.broadcast %broadcast_in_dim3A_2 : vector<1x200x128xf32> to vector<64x200x128xf32>
    %swap3A = arith.constant 0 : index
    %swap3A_4 = arith.constant 0 : index
    %swap3A_5 = arith.constant 0 : index
    %swap3A_6 = vector.load %arg2[%swap3A, %swap3A_4, %swap3A_5] : memref<64x200x128xf32, #tpu.memory_space<vmem>>, vector<64x200x128xf32>
    tpu.vector_store %arg2[%swap3A, %swap3A_4, %swap3A_5], %broadcast_in_dim3A_3 {strides = array<i32>} : memref<64x200x128xf32, #tpu.memory_space<vmem>>, vector<64x200x128xf32>,
    return
  }
  func.func @transform_0(%arg0: i32) -> (i32, i32) {
    %c0_i32 = arith.constant 0 : i32
    %c0_i32_0 = arith.constant 0 : i32
    %c0_i32_1 = arith.constant 0 : i32
    return %c0_i32, %c0_i32_0 : i32, i32
  }
  func.func @transform_1(%arg0: i32) -> (i32, i32, i32) {
    %c0_i32 = arith.constant 0 : i32
    %c0_i32_0 = arith.constant 0 : i32
    %c0_i32_1 = arith.constant 0 : i32
    return %arg0, %c0_i32, %c0_i32_0 : i32, i32, i32
  }
}

module attributes {stable_mosaic.version = 14 : i64} {
  func.func @body_tail(%arg0: i32, %arg1: memref<200x128xf32, #tpu.memory_space<vmem>>, %arg2: memref<4096x200x128xf32, #tpu.memory_space<any>>, %arg3: memref<64x200x128xf32, #tpu.memory_space<vmem>>) attributes {dimension_semantics = [#tpu.dimension_semantics<arbitrary>], iteration_bounds = array<i64: 1>, scalar_prefetch = 0 : i64, scratch_operands = 0 : i64, tpu.core_type = #tpu.core_type<tc>, window_params = [{pipeline_mode = #tpu.pipeline_mode<synchronous>, transform_indices = @transform_0, window_bounds = array<i64: 200, 128>}, {}, {transform_indices = @transform_2, window_bounds = array<i64: 64, 200, 128>}]} {
    %get3A = arith.constant 0 : index
    %get3A_0 = arith.constant 0 : index
    %get3A_1 = vector.load %arg1[%get3A, %get3A_0] : memref<200x128xf32, #tpu.memory_space<vmem>>, vector<200x128xf32>
    %broadcast_in_dim3A = vector.shape_cast %get3A_1 : vector<200x128xf32> to vector<1x200x128xf32>
    %broadcast_in_dim3A_2 = vector.shape_cast %broadcast_in_dim3A : vector<1x200x128xf32> to vector<1x200x128xf32>
    %broadcast_in_dim3A_3 = vector.broadcast %broadcast_in_dim3A_2 : vector<1x200x128xf32> to vector<64x200x128xf32>
    %swap3A = arith.constant 0 : index
    %swap3A_4 = arith.constant 0 : index
    %swap3A_5 = arith.constant 0 : index
    %swap3A_6 = vector.load %arg3[%swap3A, %swap3A_4, %swap3A_5] : memref<64x200x128xf32, #tpu.memory_space<vmem>>, vector<64x200x128xf32>
    tpu.vector_store %arg3[%swap3A, %swap3A_4, %swap3A_5], %broadcast_in_dim3A_3 {strides = array<i32>} : memref<64x200x128xf32, #tpu.memory_space<vmem>>, vector<64x200x128xf32>,
    return
  }
  func.func @transform_0(%arg0: i32) -> (i32, i32) {
    %c0_i32 = arith.constant 0 : i32
    %c0_i32_0 = arith.constant 0 : i32
    %c0_i32_1 = arith.constant 0 : i32
    return %c0_i32, %c0_i32_0 : i32, i32
  }
  func.func @transform_2(%arg0: i32) -> (i32, i32, i32) {
    %add3A = arith.constant 63 : i32
    %add3A_0 = arith.addi %add3A, %arg0 : i32
    %c0_i32 = arith.constant 0 : i32
    %c0_i32_1 = arith.constant 0 : i32
    %c0_i32_2 = arith.constant 0 : i32
    return %add3A_0, %c0_i32, %c0_i32_1 : i32, i32, i32
  }
}

</mosaic_0001>

<sc_bundles>
// kernel: kernel.5.cloned.1.call-start
scs
__scs_entry_jumppad:
0x0: {  	(pc) =	sbr.rel $0x88, $3  }
0x1: {  	(tag) =	ssettag $0x0;
	lr =	simm.s32 $0x1  }
0x2: {  	[smem:$0x3FA0] =	sst lr;
	_ =	strace $0xD0000000  }
0x3: {  	_ = 	snop  }
0x4: {  	_ = 	snop  }
0x5: {  	_ = 	snop  }
0x6: {  	_ = 	snop  }
0x7: {  	_ = 	snop  }
__scs_overlays_trampoline_lowered:
0x8: {  	[smem:$0x3FAF] =	sst s0  }
0x9: {  	[smem:$0x3FB0] =	sst s1  }
0xa: {  	[smem:$0x3FB1] =	sst s2  }
0xb: {  	[smem:$0x3FB2] =	sst s3  }
0xc: {  	[smem:$0x3FB3] =	sst s4  }
0xd: {  	[smem:$0x3FB4] =	sst s5  }
0xe: {  	[smem:$0x3FB5] =	sst s6  }
0xf: {  	[smem:$0x3FB6] =	sst s7  }
0x10: {  	[smem:$0x3FB7] =	sst s8  }
0x11: {  	[smem:$0x3FB8] =	sst s9;
	s0 =	simm.s32 @!p0 $0x0  }
0x12: {  	s1 =	sld [smem:$0x3F9E];
	s0 =	simm.s32 @p0 $0x1  }
0x13: {  	[smem:$0x3FB9] =	sst s0;
	s0 =	simm.s32 @!p1 $0x0  }
0x14: {  	s2 =	sld [smem:$0x3F9D];
	s0 =	simm.s32 @p1 $0x1  }
0x15: {  	[smem:$0x3FBA] =	sst s0;
	s0 =	simm.s32 @!p2 $0x0  }
0x16: {  	s3 =	sld [smem:$0x3FDB];
	s0 =	simm.s32 @p2 $0x1  }
0x17: {  	s4 =	simm.s32 $0x1BF5;
	[smem:$0x3FBC] =	sst s0  }
0x18: {  	s0 =	sld [smem:$0x3F9F];
	_ =	swait.ge [sflag:s4], $0x0  }
0x19: {  	s7 =	sld [smem:$0x3FA0]  }
0x1a: {  	s8 =	sadd.s32 $0xFFFFE003, lr  }
0x1b: {  	s9 =	sadd.s32 $0xFFFFFEF7, lr;
	s5 =	simm.s32 $0xFFFFFFFF;
	p2 =	slt.u32 s8, $0xFFFFF086  }
0x1c: {  	p1 =	slt.u32 s9, $0xF7A;
	s5 =	simm.s32 @!p2 $0x0  }
0x1d: {  	s5 =	simm.s32 @p1 $0x1;
	p0 =	seq.s32 s7, s2  }
0x1e: {  	s7 =	smul.u32 @!p0 $0xF7A, s2;
	p2 =	seq.s32 @!p0 s5, $0x0  }
0x1f: {  	s9 =	smul.u32 $0xF7A, s1;
	s8 =	simm.s32 @!p0 $0x1BF5;
	p2 =	por !p2, p0  }
0x20: {  	[sflag:s8] =	ssyncset.s32 @!p0 $0xFFFFF086;
	s6 =	sadd.s32 @!p0 s3, s7;
	s7 =	simm.s32 @!p0 $0x108  }
0x21: {  	s3 =	sadd.s32 s3, s9;
	s6 =	sadd.s32 @!p0 $0x88, s6;
	s7 =	simm.s32 @p2 $0x1082  }
0x22: {  	[simem:s7], [sflag:s8] =	dma.local @!p0 [hbm:s6], $0xF7A  }
0x23: {  	s9 =	sor.u32 $0xD0000000, s2;
	s6 =	simm.s32 $0x108;
	_ =	swait.ge @!p0 [sflag:s8], $0x0  }
0x24: {  	s3 =	sadd.s32 $0x88, s3;
	s6 =	simm.s32 @!p1 $0x1082;
	[sflag:s4] =	ssyncset.s32 $0xFFFFF086  }
0x25: {  	[simem:s6], [sflag:s4] =	dma.local [hbm:s3], $0xF7A  }
0x26: {  	[smem:$0x3FA0] =	sst s1;
	(tag) =	ssettag s2;
	_ =	strace s9  }
0x27: {  	s1 =	sld [smem:$0x3FB0]  }
0x28: {  	s2 =	sld [smem:$0x3FB1]  }
0x29: {  	s4 =	sld [smem:$0x3FB3]  }
0x2a: {  	p0 =	seq.s32 s5, $0x0;
	s5 =	sld [smem:$0x3FB4]  }
0x2b: {  	s6 =	sld [smem:$0x3FB5]  }
0x2c: {  	s7 =	sld [smem:$0x3FB6]  }
0x2d: {  	s3 =	simm.s32 $0x108;
	s8 =	sld [smem:$0x3FB7]  }
0x2e: {  	s3 =	simm.s32 @!p0 $0x1082;
	s9 =	sld [smem:$0x3FB8]  }
0x2f: {  	lr =	sadd.s32 s0, s3;
	s0 =	sld [smem:$0x3FAF]  }
0x30: {  	s3 =	sld [smem:$0x3FB2]  }
0x31: {  	[smem:$0x3FBB] =	sst s10  }
0x32: {  	s10 =	sld [smem:$0x3FB9];
	_ =	sdelay $0x3  }
0x33: {  	p0 =	seq.s32 s10, $0x1;
	s10 =	sld [smem:$0x3FBB];
	_ =	sdelay $0x3  }
0x34: {  	[smem:$0x3FBB] =	sst s10  }
0x35: {  	s10 =	sld [smem:$0x3FBA];
	_ =	sdelay $0x3  }
0x36: {  	p1 =	seq.s32 s10, $0x1;
	s10 =	sld [smem:$0x3FBB];
	_ =	sdelay $0x3  }
0x37: {  	[smem:$0x3FBB] =	sst s10  }
0x38: {  	s10 =	sld [smem:$0x3FBC]  }
0x39: {  	_ = 	snop;
	(pc) =	sbr.ind lr, $3  }
0x3a: {  	_ = 	snop  }
0x3b: {  	_ = 	snop  }
0x3c: {  	p2 =	seq.s32 s10, $0x1;
	s10 =	sld [smem:$0x3FBB]  }
0x3d: {  	_ =	shalt  }
0x3e: {  	_ =	shalt  }
0x3f: {  	_ =	shalt  }
0x40: {  	_ =	shalt  }
0x41: {  	_ =	shalt  }
0x42: {  	_ =	shalt  }
0x43: {  	_ =	shalt  }
0x44: {  	_ =	shalt  }
0x45: {  	_ =	shalt  }
0x46: {  	_ =	shalt  }
0x47: {  	_ =	shalt  }
0x48: {  	_ =	shalt  }
0x49: {  	_ =	shalt  }
0x4a: {  	_ =	shalt  }
0x4b: {  	_ =	shalt  }
0x4c: {  	_ =	shalt  }
0x4d: {  	_ =	shalt  }
0x4e: {  	_ =	shalt  }
0x4f: {  	_ =	shalt  }
0x50: {  	_ =	shalt  }
0x51: {  	_ =	shalt  }
0x52: {  	_ =	shalt  }
0x53: {  	_ =	shalt  }
0x54: {  	_ =	shalt  }
0x55: {  	_ =	shalt  }
0x56: {  	_ =	shalt  }
0x57: {  	_ =	shalt  }
0x58: {  	_ =	shalt  }
0x59: {  	_ =	shalt  }
0x5a: {  	_ =	shalt  }
0x5b: {  	_ =	shalt  }
0x5c: {  	_ =	shalt  }
0x5d: {  	_ =	shalt  }
0x5e: {  	_ =	shalt  }
0x5f: {  	_ =	shalt  }
0x60: {  	_ =	shalt  }
0x61: {  	_ =	shalt  }
0x62: {  	_ =	shalt  }
0x63: {  	_ =	shalt  }
0x64: {  	_ =	shalt  }
0x65: {  	_ =	shalt  }
0x66: {  	_ =	shalt  }
0x67: {  	_ =	shalt  }
0x68: {  	_ =	shalt  }
0x69: {  	_ =	shalt  }
0x6a: {  	_ =	shalt  }
0x6b: {  	_ =	shalt  }
0x6c: {  	_ =	shalt  }
0x6d: {  	_ =	shalt  }
0x6e: {  	_ =	shalt  }
0x6f: {  	_ =	shalt  }
0x70: {  	_ =	shalt  }
0x71: {  	_ =	shalt  }
0x72: {  	_ =	shalt  }
0x73: {  	_ =	shalt  }
0x74: {  	_ =	shalt  }
0x75: {  	_ =	shalt  }
0x76: {  	_ =	shalt  }
0x77: {  	_ =	shalt  }
0x78: {  	_ =	shalt  }
0x79: {  	_ =	shalt  }
0x7a: {  	_ =	shalt  }
0x7b: {  	_ =	shalt  }
0x7c: {  	_ =	shalt  }
0x7d: {  	_ =	shalt  }
0x7e: {  	_ =	shalt  }
0x7f: {  	_ =	shalt  }
0x80: {  	_ =	shalt  }
0x81: {  	_ =	shalt  }
0x82: {  	_ =	shalt  }
0x83: {  	_ =	shalt  }
0x84: {  	_ =	shalt  }
0x85: {  	_ =	shalt  }
0x86: {  	_ =	shalt  }
0x87: {  	_ =	shalt  }
.Lfunc_end0:
.L_simem_size_0:
called_computation_lowered:
.L_overlay_start_0:
0x88: {  	s0 =	sld [smem:$0x3FD9]  }
0x89: {  	s1 =	sld [smem:$0x3FFE];
	_ =	sdelay $0x3  }
0x8a: {  	s0 =	sadd.s32 s1, s0  }
0x8b: {  	[smem:$0x3FC7] =	sst s0  }
0x8c: {  	_ = 	snop  }
0x8d: {  	s0 =	sld [smem:$0x3FC9];
	(tm) =	ssettm $0x1  }
0x8e: {  	s16 =	sld [smem:$0x3FFB];
	_ =	sdelay $0x3  }
0x8f: {  	_ =	strace s16  }
0x90: {  	s1 =	sld [smem:$0x3FFC];
	_ =	sdelay $0x3  }
0x91: {  	_ =	strace s1  }
0x92: {  	s1 =	sld [smem:$0x3FFD];
	_ =	sdelay $0x3  }
0x93: {  	_ =	strace s1  }
0x94: {  	_ =	strace $0x8FFFFFFF  }
0x95: {  	s17 =	sld [smem:$0x3FDB];
	_ =	sdelay $0x1  }
0x96: {  	s2 =	simm.s32 $_scs_section_size  }
0x97: {  	s3 =	simm.s32 $_size__tile_overlayer_lowered;
	s4 =	simm.s32 $_tile_overlayer_lowered  }
0x98: {  	s20 =	simm.s32 $0x1BFF;
	s19 =	sshll.u32 s4, $0x1;
	s1 =	sadd.s32 s2, s17  }
0x99: {  	s5 =	simm.s32 $0x0;
	s18 =	sshll.u32 s3, $0x1;
	s3 =	sadd.s32 s19, s1  }
0x9a: {  	[timem:s5], [sflag:s20] =	dma.local [hbm:s3], s18  }
0x9b: {  	_ =	swait.ge [sflag:s20], s18  }
0x9c: {  	s2 =	ssub.s32 $0x0, s18;
	[sflag:s20] =	ssyncset.done $0x0  }
0x9d: {  	[sflag:s20] =	ssyncadd.s32 s2;
	_ =	sdelay $0x1  }
0x9e: {  	s21 =	simm.s32 $0x1B8B  }
0x9f: {  	_ =	swait.ge [sflag:s21], $0x1  }
0xa0: {  	[sflag:s21] =	ssyncset.done $0x0  }
0xa1: {  	s23 =	simm.s32 $0x1B8E;
	s22 =	sld [smem:$0x3FFE];
	[sflag:s21] =	ssyncadd.s32 $0xFFFFFFFF  }
0xa2: {  	s24 =	simm.s32 $execute0_lowered;
	[smem:$0x3FD2] =	sst s23  }
0xa3: {  	s3 =	sshll.u32 s24, $0x1;
	_ =	strace $0x80000046;
	[dreg:$0x1] =	wrdreg $0xFFFFFFFF  }
0xa4: {  	s25 =	simm.s32 $_size_execute0_lowered;
	s1 =	sadd.s32 s1, s3;
	[dreg:$0x0] =	wrdreg $0x0  }
0xa5: {  	s3 =	sshll.u32 s25, $0x1;
	[dreg:$0x2] =	wrdreg s1  }
0xa6: {  	[dreg:$0x3] =	wrdreg s3  }
0xa7: {  	[dreg:$0x4] =	wrdreg $0xC0  }
0xa8: {  	_ =	task [dreg:s5], $0x5FFFF  }
0xa9: {  	[dreg:$0x1] =	wrdreg $0xFFFFFFFF  }
0xaa: {  	[dreg:$0x0] =	wrdreg $0x60  }
0xab: {  	[dreg:$0x2] =	wrdreg s0  }
0xac: {  	[dreg:$0x3] =	wrdreg s22  }
0xad: {  	[dreg:$0x4] =	wrdreg $0x9  }
0xae: {  	_ =	task.clear_ibuf [dreg:s5], $0x5FFFF;
	_ =	strace $0x90000046  }
0xaf: {  	s26 =	simm.s32 $0x9;
	_ =	strace $0x80000048  }
0xb0: {  	_ =	swait.ge [sflag:s26], $0x1  }
0xb1: {  	[sflag:s26] =	ssyncadd.s32 $0xFFFFFFFF  }
0xb2: {  	_ =	strace $0x90000048  }
0xb3: {  	_ =	sfence  }
0xb4: {  	s28 =	sld [smem:$0x0];
	_ =	sdelay $0x1  }
0xb5: {  	s29 =	srdreg.scid  }
0xb6: {  	s30 =	sshll.u32 s29, $0xD;
	s31 =	sshrl.u32 s29, $0x2  }
0xb7: {  	s2 =	sand.u32 $0x4000, s30;
	s1 =	sand.u32 $0x1, s29;
	s0 =	sadd.s32 s31, s28  }
0xb8: {  	s1 =	sor.u32 s2, s1;
	s0 =	sshll.u32 s0, $0x11  }
0xb9: {  	s0 =	sor.u32 s0, s1  }
0xba: {  	s0 =	sadd.s32 $0x8F2B, s0  }
0xbb: {  	[sflag:s0] =	ssyncadd.remote.s32 $0x1  }
0xbc: {  	_ =	sfence.sel $0xFFFF  }
0xbd: {  	[dreg:$0x0] =	wrdreg $0xFFFFFFFF;
	(pc) =	sbr.abs _section_cstart, $3  }
0xbe: {  	[dreg:$0x1] =	wrdreg $0xFFFFFFFF  }
0xbf: {  	_ =	task.clear_ibuf [dreg:s5], $0x2FFFF;
	_ =	strace $0x9FFFFFFF  }
0xc0: {  	(tm) =	ssettm $0x7FFFFFFF  }
0xc1: {  	_ =	shalt  }
tec
execute0_lowered:
.L_overlay_start_1:
0x0: {  	(tag) =	ssettag $0x1  }
0x1: {  	s0 =	rddreg [dreg:$0x0]  }
0x2: {  	s1 =	rddreg [dreg:$0x1];
	s3 =	stileid.u32  }
0x3: {  	s2 =	rddreg [dreg:$0x2];
	_ =	strace $0x80000047;
	p0 =	sne.s32 s3, $0x0  }
0x4: {  	_ =	sfence.sel @p0 $0x180000  }
0x5: {  	[bflag:$0x0] =	sbarrier.arrive @p0 $0xFFFF  }
0x6: {  	v0 =	vlaneseq.u32 @!p0;
	_ =	strace @p0 $0x90000047  }
0x7: {  	v1 =	vor.u32 @!p0 $0x10, v0;
	[bflag:$0x2] =	sbarrier.arrive @p0 $0xFFFF  }
0x8: {  	[tilespmem:$0x10] =	vst @!p0 v1;
	v1 =	vor.u32 @!p0 $0x20, v0  }
0x9: {  	[tilespmem:$0x20] =	vst @!p0 v1;
	v1 =	vor.u32 @!p0 $0x30, v0  }
0xa: {  	[tilespmem:$0x30] =	vst @!p0 v1;
	v1 =	vor.u32 @!p0 $0x40, v0  }
0xb: {  	[tilespmem:$0x40] =	vst @!p0 v1;
	v1 =	vor.u32 @!p0 $0x50, v0  }
0xc: {  	[tilespmem:$0x50] =	vst @!p0 v1;
	v1 =	vor.u32 @!p0 $0x60, v0  }
0xd: {  	[tilespmem:$0x60] =	vst @!p0 v1;
	v1 =	vor.u32 @!p0 $0x70, v0  }
0xe: {  	v2 =	vimm.s32 @!p0 $0xC3C2C1C0;
	[tilespmem:$0x70] =	vst @!p0 v1;
	v1 =	vor.u32 @!p0 $0x80, v0  }
0xf: {  	v3 =	vimm.s32 @!p0 $0xC7C6C5C4;
	v2 =	vunpack.c.0.s8.s32 @!p0 v2;
	[tilespmem:$0x80] =	vst @!p0 v1;
	v1 =	vor.u32 @!p0 $0x90, v0  }
0x10: {  	vm0 =	vcmask @!p0 $0xF00;
	v3 =	vunpack.c.0.s8.s32 @!p0 v3;
	[tilespmem:$0x90] =	vst @!p0 v1;
	v1 =	vor.u32 @!p0 $0xA0, v0  }
0x11: {  	[tilespmem:$0xA0] =	vst @!p0 v1;
	v1 =	vnsel @!p0 vm0, $0xC7, v2;
	vm0 =	vcmask @!p0 $0x1F10  }
0x12: {  	[tilespmem:$0x0] =	vst @!p0 v0;
	v0 =	vor.u32 @!p0 $0xB0, v0;
	v1 =	vsel @!p0 vm0, v3, v1  }
0x13: {  	[tilespmem:$0xB0] =	vst @!p0 v0;
	v0 =	vand.u32 @!p0 $0xFF, v1  }
0x14: {  	s3 =	simm.s32 @!p0 $0xD0;
	s4 =	simm.s32 @!p0 $0x0;
	s5 =	simm.s32 @!p0 $0x100;
	[tilespmem:$0xC0] =	vst @!p0 v0  }
0x15: {  	[tilespmem:s5], [sflag:$0x1] =	stream.indirect.gather @!p0 [hbm4b:s0+s3], $0x80, s4, s3, $0xb8;
	[tilespmem:$0x6900] =	vst v63  }
0x16: {  	s0 =	simm.s32 @!p0 $0x1  }
0x17: {  	_ =	swait.ge @!p0 [sflag:s0], $0x6800  }
0x18: {  	[sflag:s0] =	ssyncset.done @!p0 $0x0  }
0x19: {  	s1 =	sadd.s32 $0x800, s1;
	[sflag:s0] =	ssyncadd.s32 @!p0 $0xFFFF9800;
	s0 =	simm.s32 @!p0 $0x2  }
0x1a: {  	[hbm4b:s1+s4] =	stream.linear.scatter @!p0 [tilespmem:s5], [sflag:$0x2], $0x6400, $0x38;
	[tilespmem:$0x6900] =	vst v63  }
0x1b: {  	_ =	swait.ge @!p0 [sflag:s0], $0x6400  }
0x1c: {  	[sflag:s0] =	ssyncset.done @!p0 $0x0  }
0x1d: {  	[sflag:s0] =	ssyncadd.s32 @!p0 $0xFFFF9C00  }
0x1e: {  	_ =	sfence.sel @!p0 $0x180000  }
0x1f: {  	[bflag:$0x0] =	sbarrier.arrive @!p0 $0xFFFF  }
0x20: {  	_ =	strace @!p0 $0x90000047  }
0x21: {  	s0 =	sadd.s32 @!p0 $0x100000, s2;
	[bflag:$0x2] =	sbarrier.arrive @!p0 $0xFFFF  }
0x22: {  	[sflag:s0] =	ssyncadd.tile.s32 @!p0 $0x1;
	_ =	shalt  }
.Lfunc_end2:
_tile_overlayer_lowered:
.L_overlay_start_2:
0x23: {  	(tag) =	ssettag $0x2  }
0x24: {  	s0 =	rddreg [dreg:$0x0];
	s2 =	stileid.u32  }
0x25: {  	s1 =	rddreg [dreg:$0x1];
	p0 =	sne.s32 s2, $0x0  }
0x26: {  	s3 =	rddreg [dreg:$0x2];
	[bflag:$0x3] =	sbarrier.arrive $0xFFFF;
	s2 =	simm.s32 @!p0 $0x1C02  }
0x27: {  	[timem:s3], [sflag:s2] =	dma.local @!p0 [hbm:s0], s1  }
0x28: {  	s0 =	simm.s32 @!p0 $0x2  }
0x29: {  	_ =	swait.ge @!p0 [sflag:s0], s1  }
0x2a: {  	s1 =	ssub.s32 @!p0 $0x0, s1;
	[sflag:s0] =	ssyncset.done @!p0 $0x0  }
0x2b: {  	[sflag:s0] =	ssyncadd.s32 @!p0 s1  }
0x2c: {  	[bflag:$0x3] =	sbarrier.arrive $0xFFFF  }
0x2d: {  	_ =	shalt  }

</sc_bundles>
